<compile_context>
chip_gen: v7x
topology: tpu7x:2x2x1
jax: 0.10.2.dev20260603
libtpu: 0.0.44.dev20260713+nightly
codegen_flags: <defaults>
</compile_context>

<pallas_src>
import jax
import jax.numpy as jnp
from jax import lax
from jax.experimental import pallas as pl
from jax.experimental.pallas import tpu as pltpu
from jax.experimental.pallas import tpu_sc as plsc

BATCH = 4096
LATENT = 32
NROWS = 1000000

_NC, _NS = 2, 16
_NW = _NC * _NS
_BPW = BATCH // _NW


def _gather_body(uids_hbm, iids_hbm, uw_hbm, ub_hbm, iw_hbm, ib_hbm,
                 uw_out, ub_out, iw_out, ib_out,
                 uidx_v, iidx_v, uwv, iwv, ubv, ibv, sem):
    wid = lax.axis_index("s") * _NC + lax.axis_index("c")
    base = wid * _BPW
    pltpu.sync_copy(uids_hbm.at[pl.ds(base, _BPW)], uidx_v)
    pltpu.sync_copy(iids_hbm.at[pl.ds(base, _BPW)], iidx_v)
    copies = [
        pltpu.async_copy(uw_hbm.at[uidx_v], uwv, sem),
        pltpu.async_copy(iw_hbm.at[iidx_v], iwv, sem),
        pltpu.async_copy(ub_hbm.at[uidx_v], ubv, sem),
        pltpu.async_copy(ib_hbm.at[iidx_v], ibv, sem),
    ]
    for c in copies:
        c.wait()
    pltpu.sync_copy(uwv, uw_out.at[pl.ds(base, _BPW)])
    pltpu.sync_copy(iwv, iw_out.at[pl.ds(base, _BPW)])
    pltpu.sync_copy(ubv, ub_out.at[pl.ds(base, _BPW)])
    pltpu.sync_copy(ibv, ib_out.at[pl.ds(base, _BPW)])


_gather_call = pl.kernel(
    _gather_body,
    out_type=(
        jax.ShapeDtypeStruct((BATCH, LATENT), jnp.float32),
        jax.ShapeDtypeStruct((BATCH,), jnp.float32),
        jax.ShapeDtypeStruct((BATCH, LATENT), jnp.float32),
        jax.ShapeDtypeStruct((BATCH,), jnp.float32),
    ),
    mesh=plsc.VectorSubcoreMesh(core_axis_name="c", subcore_axis_name="s"),
    scratch_types=[
        pltpu.VMEM((_BPW,), jnp.int32),
        pltpu.VMEM((_BPW,), jnp.int32),
        pltpu.VMEM((_BPW, LATENT), jnp.float32),
        pltpu.VMEM((_BPW, LATENT), jnp.float32),
        pltpu.VMEM((_BPW,), jnp.float32),
        pltpu.VMEM((_BPW,), jnp.float32),
        pltpu.SemaphoreType.DMA,
    ],
    compiler_params=pltpu.CompilerParams(use_tc_tiling_on_sc=False),
)


def _score_body(uw_ref, iw_ref, ub_ref, ib_ref, bias_ref, out_ref):
    acc = lax.dot_general(uw_ref[...], iw_ref[...],
                          (((1,), (1,)), ((), ())),
                          preferred_element_type=jnp.float32)
    out_ref[...] = acc + ub_ref[...] + ib_ref[...] + bias_ref[...]


_BM = 512


def kernel(user_ids, item_ids, user_weight, user_bias, item_weight,
           item_bias, bias):
    uw, ub, iw, ib = _gather_call(user_ids, item_ids,
                                  user_weight,
                                  jnp.reshape(user_bias, (NROWS,)),
                                  item_weight,
                                  jnp.reshape(item_bias, (NROWS,)))
    ub_col = jnp.reshape(ub, (BATCH, 1))
    ib_row = jnp.reshape(ib, (1, BATCH))
    bias2d = jnp.reshape(bias, (1, 1))
    rating = pl.pallas_call(
        _score_body,
        grid=(BATCH // _BM,),
        in_specs=[
            pl.BlockSpec((_BM, LATENT), lambda i: (i, 0)),
            pl.BlockSpec((BATCH, LATENT), lambda i: (0, 0)),
            pl.BlockSpec((_BM, 1), lambda i: (i, 0)),
            pl.BlockSpec((1, BATCH), lambda i: (0, 0)),
            pl.BlockSpec((1, 1), lambda i: (0, 0)),
        ],
        out_specs=pl.BlockSpec((_BM, BATCH), lambda i: (i, 0)),
        out_shape=jax.ShapeDtypeStruct((BATCH, BATCH), jnp.float32),
    )(uw, iw, ub_col, ib_row, bias2d)
    return rating

# --- scband reference (transcript-rebuilt; emitter-appended) ---
"""Pipeline reference for scband-probability-matrix-factorization-83726092468845 (READ-ONLY COPY).

The authoritative reference and input builder live on the scoring server;
editing this copy changes nothing except your own understanding.
"""

import jax, jax.numpy as jnp
import numpy as np

N_USERS = 1000000
N_ITEMS = 1000000
LATENT = 32
BATCH = 4096


def setup_inputs(seed: int = 0) -> dict:
    key = jax.random.key(seed)
    k0, k1, k2, k3, k4, k5 = jax.random.split(key, 6)
    user_ids = jax.random.randint(k0, (BATCH,), 0, N_USERS, dtype=jnp.int64 if jax.config.jax_enable_x64 else jnp.int32).astype(jnp.int32)
    item_ids = jax.random.randint(k1, (BATCH,), 0, N_ITEMS, dtype=jnp.int64 if jax.config.jax_enable_x64 else jnp.int32).astype(jnp.int32)
    user_weight = jax.random.normal(k2, (N_USERS, LATENT), dtype=jnp.float32) * 0.01
    user_bias = jax.random.normal(k3, (N_USERS, 1), dtype=jnp.float32) * 0.01
    item_weight = jax.random.normal(k4, (N_ITEMS, LATENT), dtype=jnp.float32) * 0.01
    item_bias = jax.random.normal(k5, (N_ITEMS, 1), dtype=jnp.float32) * 0.01
    bias = jnp.zeros((1,), dtype=jnp.float32)
    return {
        "user_ids": user_ids,
        "item_ids": item_ids,
        "user_weight": user_weight,
        "user_bias": user_bias,
        "item_weight": item_weight,
        "item_bias": item_bias,
        "bias": bias,
    }


def reference(user_ids, item_ids, user_weight, user_bias, item_weight, item_bias, bias):
    # gather factor rows (embedding lookup)
    uw = jnp.take(user_weight, user_ids, axis=0)   # [B, d]
    ub = jnp.take(user_bias, user_ids, axis=0)     # [B, 1]
    iw = jnp.take(item_weight, item_ids, axis=0)   # [B, d]
    ib = jnp.take(item_bias, item_ids, axis=0)     # [B, 1]
    # predicted rating matrix [B_users, B_items]
    rating = uw @ iw.T + ub + ib.T + bias
    return rating

if __name__ == "__main__":
    import jax
    _d = setup_inputs()
    print(jax.jit(kernel)(*tuple(_d.values())))

</pallas_src>

<mosaic_0001>
#map = affine_map<(d0, d1) -> (0)>
#map1 = affine_map<(d0, d1) -> (0, 0)>
module attributes {stable_mosaic.version = 14 : i64} {
  func.func @_gather_body(%arg0: i32, %arg1: i32, %arg2: memref<4096xi32, #tpu.memory_space<hbm>>, %arg3: memref<4096xi32, #tpu.memory_space<hbm>>, %arg4: memref<1000000x32xf32, #tpu.memory_space<hbm>>, %arg5: memref<1000000xf32, #tpu.memory_space<hbm>>, %arg6: memref<1000000x32xf32, #tpu.memory_space<hbm>>, %arg7: memref<1000000xf32, #tpu.memory_space<hbm>>, %arg8: memref<4096x32xf32, #tpu.memory_space<hbm>>, %arg9: memref<4096xf32, #tpu.memory_space<hbm>>, %arg10: memref<4096x32xf32, #tpu.memory_space<hbm>>, %arg11: memref<4096xf32, #tpu.memory_space<hbm>>, %arg12: memref<128xi32, #tpu.memory_space<vmem>>, %arg13: memref<128xi32, #tpu.memory_space<vmem>>, %arg14: memref<128x32xf32, #tpu.memory_space<vmem>>, %arg15: memref<128x32xf32, #tpu.memory_space<vmem>>, %arg16: memref<128xf32, #tpu.memory_space<vmem>>, %arg17: memref<128xf32, #tpu.memory_space<vmem>>, %arg18: memref<!tpu.dma_semaphore, #tpu.memory_space<semaphore_mem>>) attributes {dimension_semantics = [#tpu.dimension_semantics<core_parallel>, #tpu.dimension_semantics<subcore_parallel>], iteration_bounds = array<i64: 2, 16>, scalar_prefetch = 0 : i64, scratch_operands = 7 : i64, tpu.core_type = #tpu.core_type<sc_vector_subcore>, window_params = [{transform_indices = #map}, {transform_indices = #map}, {transform_indices = #map1}, {transform_indices = #map}, {transform_indices = #map1}, {transform_indices = #map}, {transform_indices = #map1}, {transform_indices = #map}, {transform_indices = #map1}, {transform_indices = #map}]} {
    %mul3A = arith.constant 2 : i32
    %mul3A_0 = arith.muli %arg1, %mul3A : i32
    %add3A = arith.addi %mul3A_0, %arg0 : i32
    %mul3A_1 = arith.constant 128 : i32
    %mul3A_2 = arith.muli %add3A, %mul3A_1 : i32
    "tpu.region"() ({
      %run_scoped3A = tpu.sem_alloc : memref<!tpu.dma_semaphore, #tpu.memory_space<semaphore_mem>>
      %dma_start3A_21 = tpu.memref_slice %arg2[%mul3A_2] : memref<4096xi32, #tpu.memory_space<hbm>> -> memref<128xi32, #tpu.memory_space<hbm>>
      %dma_start3A_22 = tpu.memref_slice %arg2[%mul3A_2] : memref<4096xi32, #tpu.memory_space<hbm>> -> memref<128xi32, #tpu.memory_space<hbm>>
      tpu.enqueue_dma source(%dma_start3A_22 : memref<128xi32, #tpu.memory_space<hbm>>) target(%arg12 : memref<128xi32, #tpu.memory_space<vmem>>) target_semaphore(%run_scoped3A : memref<!tpu.dma_semaphore, #tpu.memory_space<semaphore_mem>>)
      %dma_wait3A_23 = tpu.memref_slice %arg2[%mul3A_2] : memref<4096xi32, #tpu.memory_space<hbm>> -> memref<128xi32, #tpu.memory_space<hbm>>
      %dma_wait3A_24 = tpu.memref_slice %arg2[%mul3A_2] : memref<4096xi32, #tpu.memory_space<hbm>> -> memref<128xi32, #tpu.memory_space<hbm>>
      tpu.wait_dma2 semaphore(%run_scoped3A : memref<!tpu.dma_semaphore, #tpu.memory_space<semaphore_mem>>) src(%dma_wait3A_24 : memref<128xi32, #tpu.memory_space<hbm>>) dst(%arg12 : memref<128xi32, #tpu.memory_space<vmem>>)
      tpu.yield
    }) : () -> ()
    "tpu.region"() ({
      %run_scoped3A = tpu.sem_alloc : memref<!tpu.dma_semaphore, #tpu.memory_space<semaphore_mem>>
      %dma_start3A_21 = tpu.memref_slice %arg3[%mul3A_2] : memref<4096xi32, #tpu.memory_space<hbm>> -> memref<128xi32, #tpu.memory_space<hbm>>
      %dma_start3A_22 = tpu.memref_slice %arg3[%mul3A_2] : memref<4096xi32, #tpu.memory_space<hbm>> -> memref<128xi32, #tpu.memory_space<hbm>>
      tpu.enqueue_dma source(%dma_start3A_22 : memref<128xi32, #tpu.memory_space<hbm>>) target(%arg13 : memref<128xi32, #tpu.memory_space<vmem>>) target_semaphore(%run_scoped3A : memref<!tpu.dma_semaphore, #tpu.memory_space<semaphore_mem>>)
      %dma_wait3A_23 = tpu.memref_slice %arg3[%mul3A_2] : memref<4096xi32, #tpu.memory_space<hbm>> -> memref<128xi32, #tpu.memory_space<hbm>>
      %dma_wait3A_24 = tpu.memref_slice %arg3[%mul3A_2] : memref<4096xi32, #tpu.memory_space<hbm>> -> memref<128xi32, #tpu.memory_space<hbm>>
      tpu.wait_dma2 semaphore(%run_scoped3A : memref<!tpu.dma_semaphore, #tpu.memory_space<semaphore_mem>>) src(%dma_wait3A_24 : memref<128xi32, #tpu.memory_space<hbm>>) dst(%arg13 : memref<128xi32, #tpu.memory_space<vmem>>)
      tpu.yield
    }) : () -> ()
    %dma_start3A = arith.constant 0 : i32
    %dma_start3A_3 = arith.constant 0 : i32
    %dma_start3A_4 = tpu.memref_slice %arg4[%dma_start3A, %dma_start3A_3] : memref<1000000x32xf32, #tpu.memory_space<hbm>> -> memref<1000000x32xf32, #tpu.memory_space<hbm>>
    tpu.enqueue_indirect_dma source(%dma_start3A_4 : memref<1000000x32xf32, #tpu.memory_space<hbm>>) target(%arg14 : memref<128x32xf32, #tpu.memory_space<vmem>>) offsets(%arg12 : memref<128xi32, #tpu.memory_space<vmem>>) semaphore(%arg18 : memref<!tpu.dma_semaphore, #tpu.memory_space<semaphore_mem>>)
    %dma_start3A_5 = arith.constant 0 : i32
    %dma_start3A_6 = arith.constant 0 : i32
    %dma_start3A_7 = tpu.memref_slice %arg6[%dma_start3A_5, %dma_start3A_6] : memref<1000000x32xf32, #tpu.memory_space<hbm>> -> memref<1000000x32xf32, #tpu.memory_space<hbm>>
    tpu.enqueue_indirect_dma source(%dma_start3A_7 : memref<1000000x32xf32, #tpu.memory_space<hbm>>) target(%arg15 : memref<128x32xf32, #tpu.memory_space<vmem>>) offsets(%arg13 : memref<128xi32, #tpu.memory_space<vmem>>) semaphore(%arg18 : memref<!tpu.dma_semaphore, #tpu.memory_space<semaphore_mem>>)
    %dma_start3A_8 = arith.constant 0 : i32
    %dma_start3A_9 = tpu.memref_slice %arg5[%dma_start3A_8] : memref<1000000xf32, #tpu.memory_space<hbm>> -> memref<1000000xf32, #tpu.memory_space<hbm>>
    tpu.enqueue_indirect_dma source(%dma_start3A_9 : memref<1000000xf32, #tpu.memory_space<hbm>>) target(%arg16 : memref<128xf32, #tpu.memory_space<vmem>>) offsets(%arg12 : memref<128xi32, #tpu.memory_space<vmem>>) semaphore(%arg18 : memref<!tpu.dma_semaphore, #tpu.memory_space<semaphore_mem>>)
    %dma_start3A_10 = arith.constant 0 : i32
    %dma_start3A_11 = tpu.memref_slice %arg7[%dma_start3A_10] : memref<1000000xf32, #tpu.memory_space<hbm>> -> memref<1000000xf32, #tpu.memory_space<hbm>>
    tpu.enqueue_indirect_dma source(%dma_start3A_11 : memref<1000000xf32, #tpu.memory_space<hbm>>) target(%arg17 : memref<128xf32, #tpu.memory_space<vmem>>) offsets(%arg13 : memref<128xi32, #tpu.memory_space<vmem>>) semaphore(%arg18 : memref<!tpu.dma_semaphore, #tpu.memory_space<semaphore_mem>>)
    %dma_wait3A = arith.constant 0 : i32
    %dma_wait3A_12 = arith.constant 0 : i32
    %dma_wait3A_13 = tpu.memref_slice %arg4[%dma_wait3A, %dma_wait3A_12] : memref<1000000x32xf32, #tpu.memory_space<hbm>> -> memref<1000000x32xf32, #tpu.memory_space<hbm>>
    tpu.wait_indirect_dma semaphore(%arg18 : memref<!tpu.dma_semaphore, #tpu.memory_space<semaphore_mem>>) src(%dma_wait3A_13 : memref<1000000x32xf32, #tpu.memory_space<hbm>>) dst(%arg14 : memref<128x32xf32, #tpu.memory_space<vmem>>)
    %dma_wait3A_14 = arith.constant 0 : i32
    %dma_wait3A_15 = arith.constant 0 : i32
    %dma_wait3A_16 = tpu.memref_slice %arg6[%dma_wait3A_14, %dma_wait3A_15] : memref<1000000x32xf32, #tpu.memory_space<hbm>> -> memref<1000000x32xf32, #tpu.memory_space<hbm>>
    tpu.wait_indirect_dma semaphore(%arg18 : memref<!tpu.dma_semaphore, #tpu.memory_space<semaphore_mem>>) src(%dma_wait3A_16 : memref<1000000x32xf32, #tpu.memory_space<hbm>>) dst(%arg15 : memref<128x32xf32, #tpu.memory_space<vmem>>)
    %dma_wait3A_17 = arith.constant 0 : i32
    %dma_wait3A_18 = tpu.memref_slice %arg5[%dma_wait3A_17] : memref<1000000xf32, #tpu.memory_space<hbm>> -> memref<1000000xf32, #tpu.memory_space<hbm>>
    tpu.wait_indirect_dma semaphore(%arg18 : memref<!tpu.dma_semaphore, #tpu.memory_space<semaphore_mem>>) src(%dma_wait3A_18 : memref<1000000xf32, #tpu.memory_space<hbm>>) dst(%arg16 : memref<128xf32, #tpu.memory_space<vmem>>)
    %dma_wait3A_19 = arith.constant 0 : i32
    %dma_wait3A_20 = tpu.memref_slice %arg7[%dma_wait3A_19] : memref<1000000xf32, #tpu.memory_space<hbm>> -> memref<1000000xf32, #tpu.memory_space<hbm>>
    tpu.wait_indirect_dma semaphore(%arg18 : memref<!tpu.dma_semaphore, #tpu.memory_space<semaphore_mem>>) src(%dma_wait3A_20 : memref<1000000xf32, #tpu.memory_space<hbm>>) dst(%arg17 : memref<128xf32, #tpu.memory_space<vmem>>)
    "tpu.region"() ({
      %run_scoped3A = tpu.sem_alloc : memref<!tpu.dma_semaphore, #tpu.memory_space<semaphore_mem>>
      %dma_start3A_21 = arith.constant 0 : i32
      %dma_start3A_22 = tpu.memref_slice %arg8[%mul3A_2, %dma_start3A_21] : memref<4096x32xf32, #tpu.memory_space<hbm>> -> memref<128x32xf32, #tpu.memory_space<hbm>>
      %dma_start3A_23 = arith.constant 0 : i32
      %dma_start3A_24 = tpu.memref_slice %arg8[%mul3A_2, %dma_start3A_23] : memref<4096x32xf32, #tpu.memory_space<hbm>> -> memref<128x32xf32, #tpu.memory_space<hbm>>
      tpu.enqueue_dma source(%arg14 : memref<128x32xf32, #tpu.memory_space<vmem>>) target(%dma_start3A_24 : memref<128x32xf32, #tpu.memory_space<hbm>>) target_semaphore(%run_scoped3A : memref<!tpu.dma_semaphore, #tpu.memory_space<semaphore_mem>>)
      %dma_wait3A_25 = arith.constant 0 : i32
      %dma_wait3A_26 = tpu.memref_slice %arg8[%mul3A_2, %dma_wait3A_25] : memref<4096x32xf32, #tpu.memory_space<hbm>> -> memref<128x32xf32, #tpu.memory_space<hbm>>
      %dma_wait3A_27 = arith.constant 0 : i32
      %dma_wait3A_28 = tpu.memref_slice %arg8[%mul3A_2, %dma_wait3A_27] : memref<4096x32xf32, #tpu.memory_space<hbm>> -> memref<128x32xf32, #tpu.memory_space<hbm>>
      tpu.wait_dma2 semaphore(%run_scoped3A : memref<!tpu.dma_semaphore, #tpu.memory_space<semaphore_mem>>) src(%arg14 : memref<128x32xf32, #tpu.memory_space<vmem>>) dst(%dma_wait3A_28 : memref<128x32xf32, #tpu.memory_space<hbm>>)
      tpu.yield
    }) : () -> ()
    "tpu.region"() ({
      %run_scoped3A = tpu.sem_alloc : memref<!tpu.dma_semaphore, #tpu.memory_space<semaphore_mem>>
      %dma_start3A_21 = arith.constant 0 : i32
      %dma_start3A_22 = tpu.memref_slice %arg10[%mul3A_2, %dma_start3A_21] : memref<4096x32xf32, #tpu.memory_space<hbm>> -> memref<128x32xf32, #tpu.memory_space<hbm>>
      %dma_start3A_23 = arith.constant 0 : i32
      %dma_start3A_24 = tpu.memref_slice %arg10[%mul3A_2, %dma_start3A_23] : memref<4096x32xf32, #tpu.memory_space<hbm>> -> memref<128x32xf32, #tpu.memory_space<hbm>>
      tpu.enqueue_dma source(%arg15 : memref<128x32xf32, #tpu.memory_space<vmem>>) target(%dma_start3A_24 : memref<128x32xf32, #tpu.memory_space<hbm>>) target_semaphore(%run_scoped3A : memref<!tpu.dma_semaphore, #tpu.memory_space<semaphore_mem>>)
      %dma_wait3A_25 = arith.constant 0 : i32
      %dma_wait3A_26 = tpu.memref_slice %arg10[%mul3A_2, %dma_wait3A_25] : memref<4096x32xf32, #tpu.memory_space<hbm>> -> memref<128x32xf32, #tpu.memory_space<hbm>>
      %dma_wait3A_27 = arith.constant 0 : i32
      %dma_wait3A_28 = tpu.memref_slice %arg10[%mul3A_2, %dma_wait3A_27] : memref<4096x32xf32, #tpu.memory_space<hbm>> -> memref<128x32xf32, #tpu.memory_space<hbm>>
      tpu.wait_dma2 semaphore(%run_scoped3A : memref<!tpu.dma_semaphore, #tpu.memory_space<semaphore_mem>>) src(%arg15 : memref<128x32xf32, #tpu.memory_space<vmem>>) dst(%dma_wait3A_28 : memref<128x32xf32, #tpu.memory_space<hbm>>)
      tpu.yield
    }) : () -> ()
    "tpu.region"() ({
      %run_scoped3A = tpu.sem_alloc : memref<!tpu.dma_semaphore, #tpu.memory_space<semaphore_mem>>
      %dma_start3A_21 = tpu.memref_slice %arg9[%mul3A_2] : memref<4096xf32, #tpu.memory_space<hbm>> -> memref<128xf32, #tpu.memory_space<hbm>>
      %dma_start3A_22 = tpu.memref_slice %arg9[%mul3A_2] : memref<4096xf32, #tpu.memory_space<hbm>> -> memref<128xf32, #tpu.memory_space<hbm>>
      tpu.enqueue_dma source(%arg16 : memref<128xf32, #tpu.memory_space<vmem>>) target(%dma_start3A_22 : memref<128xf32, #tpu.memory_space<hbm>>) target_semaphore(%run_scoped3A : memref<!tpu.dma_semaphore, #tpu.memory_space<semaphore_mem>>)
      %dma_wait3A_23 = tpu.memref_slice %arg9[%mul3A_2] : memref<4096xf32, #tpu.memory_space<hbm>> -> memref<128xf32, #tpu.memory_space<hbm>>
      %dma_wait3A_24 = tpu.memref_slice %arg9[%mul3A_2] : memref<4096xf32, #tpu.memory_space<hbm>> -> memref<128xf32, #tpu.memory_space<hbm>>
      tpu.wait_dma2 semaphore(%run_scoped3A : memref<!tpu.dma_semaphore, #tpu.memory_space<semaphore_mem>>) src(%arg16 : memref<128xf32, #tpu.memory_space<vmem>>) dst(%dma_wait3A_24 : memref<128xf32, #tpu.memory_space<hbm>>)
      tpu.yield
    }) : () -> ()
    "tpu.region"() ({
      %run_scoped3A = tpu.sem_alloc : memref<!tpu.dma_semaphore, #tpu.memory_space<semaphore_mem>>
      %dma_start3A_21 = tpu.memref_slice %arg11[%mul3A_2] : memref<4096xf32, #tpu.memory_space<hbm>> -> memref<128xf32, #tpu.memory_space<hbm>>
      %dma_start3A_22 = tpu.memref_slice %arg11[%mul3A_2] : memref<4096xf32, #tpu.memory_space<hbm>> -> memref<128xf32, #tpu.memory_space<hbm>>
      tpu.enqueue_dma source(%arg17 : memref<128xf32, #tpu.memory_space<vmem>>) target(%dma_start3A_22 : memref<128xf32, #tpu.memory_space<hbm>>) target_semaphore(%run_scoped3A : memref<!tpu.dma_semaphore, #tpu.memory_space<semaphore_mem>>)
      %dma_wait3A_23 = tpu.memref_slice %arg11[%mul3A_2] : memref<4096xf32, #tpu.memory_space<hbm>> -> memref<128xf32, #tpu.memory_space<hbm>>
      %dma_wait3A_24 = tpu.memref_slice %arg11[%mul3A_2] : memref<4096xf32, #tpu.memory_space<hbm>> -> memref<128xf32, #tpu.memory_space<hbm>>
      tpu.wait_dma2 semaphore(%run_scoped3A : memref<!tpu.dma_semaphore, #tpu.memory_space<semaphore_mem>>) src(%arg17 : memref<128xf32, #tpu.memory_space<vmem>>) dst(%dma_wait3A_24 : memref<128xf32, #tpu.memory_space<hbm>>)
      tpu.yield
    }) : () -> ()
    return
  }
}

module attributes {stable_mosaic.version = 14 : i64} {
  func.func @_score_body(%arg0: i32, %arg1: memref<512x32xf32, #tpu.memory_space<vmem>>, %arg2: memref<4096x32xf32, #tpu.memory_space<vmem>>, %arg3: memref<512x1xf32, #tpu.memory_space<vmem>>, %arg4: memref<1x4096xf32, #tpu.memory_space<vmem>>, %arg5: memref<1x1xf32, #tpu.memory_space<vmem>>, %arg6: memref<512x4096xf32, #tpu.memory_space<vmem>>) attributes {dimension_semantics = [#tpu.dimension_semantics<arbitrary>], iteration_bounds = array<i64: 8>, scalar_prefetch = 0 : i64, scratch_operands = 0 : i64, tpu.core_type = #tpu.core_type<tc>, window_params = [{transform_indices = @transform_0, window_bounds = array<i64: 512, 32>}, {pipeline_mode = #tpu.pipeline_mode<synchronous>, transform_indices = @transform_1, window_bounds = array<i64: 4096, 32>}, {transform_indices = @transform_2, window_bounds = array<i64: 512, 1>}, {pipeline_mode = #tpu.pipeline_mode<synchronous>, transform_indices = @transform_3, window_bounds = array<i64: 1, 4096>}, {pipeline_mode = #tpu.pipeline_mode<synchronous>, transform_indices = @transform_4, window_bounds = array<i64: 1, 1>}, {transform_indices = @transform_5, window_bounds = array<i64: 512, 4096>}]} {
    %get3A = arith.constant 0 : index
    %get3A_0 = arith.constant 0 : index
    %get3A_1 = vector.load %arg1[%get3A, %get3A_0] : memref<512x32xf32, #tpu.memory_space<vmem>>, vector<512x32xf32>
    %get3A_2 = arith.constant 0 : index
    %get3A_3 = arith.constant 0 : index
    %get3A_4 = vector.load %arg2[%get3A_2, %get3A_3] : memref<4096x32xf32, #tpu.memory_space<vmem>>, vector<4096x32xf32>
    %dot_general3A = arith.constant dense<0.000000e+00> : vector<512x4096xf32>
    %dot_general3A_5 = tpu.matmul %get3A_1, %get3A_4, %dot_general3A {dimension_numbers = #tpu.dot_dimension_numbers<[1], [1], [0], [0], [0, 0, 1, 0], [], []>, transpose_lhs_hint = false} : vector<512x32xf32>, vector<4096x32xf32>, vector<512x4096xf32> -> vector<512x4096xf32>
    %get3A_6 = arith.constant 0 : index
    %get3A_7 = arith.constant 0 : index
    %get3A_8 = vector.load %arg3[%get3A_6, %get3A_7] : memref<512x1xf32, #tpu.memory_space<vmem>>, vector<512x1xf32>
    %add3A = vector.broadcast %get3A_8 : vector<512x1xf32> to vector<512x4096xf32>
    %add3A_9 = arith.addf %dot_general3A_5, %add3A : vector<512x4096xf32>
    %get3A_10 = arith.constant 0 : index
    %get3A_11 = arith.constant 0 : index
    %get3A_12 = vector.load %arg4[%get3A_10, %get3A_11] : memref<1x4096xf32, #tpu.memory_space<vmem>>, vector<1x4096xf32>
    %add3A_13 = vector.broadcast %get3A_12 : vector<1x4096xf32> to vector<512x4096xf32>
    %add3A_14 = arith.addf %add3A_9, %add3A_13 : vector<512x4096xf32>
    %get3A_15 = arith.constant 0 : index
    %get3A_16 = arith.constant 0 : index
    %get3A_17 = vector.load %arg5[%get3A_15, %get3A_16] : memref<1x1xf32, #tpu.memory_space<vmem>>, vector<1x1xf32>
    %add3A_18 = vector.broadcast %get3A_17 : vector<1x1xf32> to vector<512x4096xf32>
    %add3A_19 = arith.addf %add3A_14, %add3A_18 : vector<512x4096xf32>
    %swap3A = arith.constant 0 : index
    %swap3A_20 = arith.constant 0 : index
    %swap3A_21 = vector.load %arg6[%swap3A, %swap3A_20] : memref<512x4096xf32, #tpu.memory_space<vmem>>, vector<512x4096xf32>
    tpu.vector_store %arg6[%swap3A, %swap3A_20], %add3A_19 {strides = array<i32>} : memref<512x4096xf32, #tpu.memory_space<vmem>>, vector<512x4096xf32>,
    return
  }
  func.func @transform_0(%arg0: i32) -> (i32, i32) {
    %c0_i32 = arith.constant 0 : i32
    %c0_i32_0 = arith.constant 0 : i32
    return %arg0, %c0_i32 : i32, i32
  }
  func.func @transform_1(%arg0: i32) -> (i32, i32) {
    %c0_i32 = arith.constant 0 : i32
    %c0_i32_0 = arith.constant 0 : i32
    %c0_i32_1 = arith.constant 0 : i32
    return %c0_i32, %c0_i32_0 : i32, i32
  }
  func.func @transform_2(%arg0: i32) -> (i32, i32) {
    %c0_i32 = arith.constant 0 : i32
    %c0_i32_0 = arith.constant 0 : i32
    return %arg0, %c0_i32 : i32, i32
  }
  func.func @transform_3(%arg0: i32) -> (i32, i32) {
    %c0_i32 = arith.constant 0 : i32
    %c0_i32_0 = arith.constant 0 : i32
    %c0_i32_1 = arith.constant 0 : i32
    return %c0_i32, %c0_i32_0 : i32, i32
  }
  func.func @transform_4(%arg0: i32) -> (i32, i32) {
    %c0_i32 = arith.constant 0 : i32
    %c0_i32_0 = arith.constant 0 : i32
    %c0_i32_1 = arith.constant 0 : i32
    return %c0_i32, %c0_i32_0 : i32, i32
  }
  func.func @transform_5(%arg0: i32) -> (i32, i32) {
    %c0_i32 = arith.constant 0 : i32
    %c0_i32_0 = arith.constant 0 : i32
    return %arg0, %c0_i32 : i32, i32
  }
}

</mosaic_0001>

<sc_bundles>
// kernel: kernel.4.cloned.1.call-start
scs
__scs_entry_jumppad:
0x0: {  	(pc) =	sbr.rel $0x88, $3  }
0x1: {  	(tag) =	ssettag $0x0;
	lr =	simm.s32 $0x1  }
0x2: {  	[smem:$0x3F9A] =	sst lr;
	_ =	strace $0xD0000000  }
0x3: {  	_ = 	snop  }
0x4: {  	_ = 	snop  }
0x5: {  	_ = 	snop  }
0x6: {  	_ = 	snop  }
0x7: {  	_ = 	snop  }
__scs_overlays_trampoline_lowered:
0x8: {  	[smem:$0x3FA9] =	sst s0  }
0x9: {  	[smem:$0x3FAA] =	sst s1  }
0xa: {  	[smem:$0x3FAB] =	sst s2  }
0xb: {  	[smem:$0x3FAC] =	sst s3  }
0xc: {  	[smem:$0x3FAD] =	sst s4  }
0xd: {  	[smem:$0x3FAE] =	sst s5  }
0xe: {  	[smem:$0x3FAF] =	sst s6  }
0xf: {  	[smem:$0x3FB0] =	sst s7  }
0x10: {  	[smem:$0x3FB1] =	sst s8  }
0x11: {  	[smem:$0x3FB2] =	sst s9;
	s0 =	simm.s32 @!p0 $0x0  }
0x12: {  	s1 =	sld [smem:$0x3F98];
	s0 =	simm.s32 @p0 $0x1  }
0x13: {  	[smem:$0x3FB3] =	sst s0;
	s0 =	simm.s32 @!p1 $0x0  }
0x14: {  	s2 =	sld [smem:$0x3F97];
	s0 =	simm.s32 @p1 $0x1  }
0x15: {  	[smem:$0x3FB4] =	sst s0;
	s0 =	simm.s32 @!p2 $0x0  }
0x16: {  	s3 =	sld [smem:$0x3FDB];
	s0 =	simm.s32 @p2 $0x1  }
0x17: {  	s4 =	simm.s32 $0x1BF5;
	[smem:$0x3FB6] =	sst s0  }
0x18: {  	s0 =	sld [smem:$0x3F99];
	_ =	swait.ge [sflag:s4], $0x0  }
0x19: {  	s7 =	sld [smem:$0x3F9A]  }
0x1a: {  	s8 =	sadd.s32 $0xFFFFE003, lr  }
0x1b: {  	s9 =	sadd.s32 $0xFFFFFEF7, lr;
	s5 =	simm.s32 $0xFFFFFFFF;
	p2 =	slt.u32 s8, $0xFFFFF086  }
0x1c: {  	p1 =	slt.u32 s9, $0xF7A;
	s5 =	simm.s32 @!p2 $0x0  }
0x1d: {  	s5 =	simm.s32 @p1 $0x1;
	p0 =	seq.s32 s7, s2  }
0x1e: {  	s7 =	smul.u32 @!p0 $0xF7A, s2;
	p2 =	seq.s32 @!p0 s5, $0x0  }
0x1f: {  	s9 =	smul.u32 $0xF7A, s1;
	s8 =	simm.s32 @!p0 $0x1BF5;
	p2 =	por !p2, p0  }
0x20: {  	[sflag:s8] =	ssyncset.s32 @!p0 $0xFFFFF086;
	s6 =	sadd.s32 @!p0 s3, s7;
	s7 =	simm.s32 @!p0 $0x108  }
0x21: {  	s3 =	sadd.s32 s3, s9;
	s6 =	sadd.s32 @!p0 $0x88, s6;
	s7 =	simm.s32 @p2 $0x1082  }
0x22: {  	[simem:s7], [sflag:s8] =	dma.local @!p0 [hbm:s6], $0xF7A  }
0x23: {  	s9 =	sor.u32 $0xD0000000, s2;
	s6 =	simm.s32 $0x108;
	_ =	swait.ge @!p0 [sflag:s8], $0x0  }
0x24: {  	s3 =	sadd.s32 $0x88, s3;
	s6 =	simm.s32 @!p1 $0x1082;
	[sflag:s4] =	ssyncset.s32 $0xFFFFF086  }
0x25: {  	[simem:s6], [sflag:s4] =	dma.local [hbm:s3], $0xF7A  }
0x26: {  	[smem:$0x3F9A] =	sst s1;
	(tag) =	ssettag s2;
	_ =	strace s9  }
0x27: {  	s1 =	sld [smem:$0x3FAA]  }
0x28: {  	s2 =	sld [smem:$0x3FAB]  }
0x29: {  	s4 =	sld [smem:$0x3FAD]  }
0x2a: {  	p0 =	seq.s32 s5, $0x0;
	s5 =	sld [smem:$0x3FAE]  }
0x2b: {  	s6 =	sld [smem:$0x3FAF]  }
0x2c: {  	s7 =	sld [smem:$0x3FB0]  }
0x2d: {  	s3 =	simm.s32 $0x108;
	s8 =	sld [smem:$0x3FB1]  }
0x2e: {  	s3 =	simm.s32 @!p0 $0x1082;
	s9 =	sld [smem:$0x3FB2]  }
0x2f: {  	lr =	sadd.s32 s0, s3;
	s0 =	sld [smem:$0x3FA9]  }
0x30: {  	s3 =	sld [smem:$0x3FAC]  }
0x31: {  	[smem:$0x3FB5] =	sst s10  }
0x32: {  	s10 =	sld [smem:$0x3FB3];
	_ =	sdelay $0x3  }
0x33: {  	p0 =	seq.s32 s10, $0x1;
	s10 =	sld [smem:$0x3FB5];
	_ =	sdelay $0x3  }
0x34: {  	[smem:$0x3FB5] =	sst s10  }
0x35: {  	s10 =	sld [smem:$0x3FB4];
	_ =	sdelay $0x3  }
0x36: {  	p1 =	seq.s32 s10, $0x1;
	s10 =	sld [smem:$0x3FB5];
	_ =	sdelay $0x3  }
0x37: {  	[smem:$0x3FB5] =	sst s10  }
0x38: {  	s10 =	sld [smem:$0x3FB6]  }
0x39: {  	_ = 	snop;
	(pc) =	sbr.ind lr, $3  }
0x3a: {  	_ = 	snop  }
0x3b: {  	_ = 	snop  }
0x3c: {  	p2 =	seq.s32 s10, $0x1;
	s10 =	sld [smem:$0x3FB5]  }
0x3d: {  	_ =	shalt  }
0x3e: {  	_ =	shalt  }
0x3f: {  	_ =	shalt  }
0x40: {  	_ =	shalt  }
0x41: {  	_ =	shalt  }
0x42: {  	_ =	shalt  }
0x43: {  	_ =	shalt  }
0x44: {  	_ =	shalt  }
0x45: {  	_ =	shalt  }
0x46: {  	_ =	shalt  }
0x47: {  	_ =	shalt  }
0x48: {  	_ =	shalt  }
0x49: {  	_ =	shalt  }
0x4a: {  	_ =	shalt  }
0x4b: {  	_ =	shalt  }
0x4c: {  	_ =	shalt  }
0x4d: {  	_ =	shalt  }
0x4e: {  	_ =	shalt  }
0x4f: {  	_ =	shalt  }
0x50: {  	_ =	shalt  }
0x51: {  	_ =	shalt  }
0x52: {  	_ =	shalt  }
0x53: {  	_ =	shalt  }
0x54: {  	_ =	shalt  }
0x55: {  	_ =	shalt  }
0x56: {  	_ =	shalt  }
0x57: {  	_ =	shalt  }
0x58: {  	_ =	shalt  }
0x59: {  	_ =	shalt  }
0x5a: {  	_ =	shalt  }
0x5b: {  	_ =	shalt  }
0x5c: {  	_ =	shalt  }
0x5d: {  	_ =	shalt  }
0x5e: {  	_ =	shalt  }
0x5f: {  	_ =	shalt  }
0x60: {  	_ =	shalt  }
0x61: {  	_ =	shalt  }
0x62: {  	_ =	shalt  }
0x63: {  	_ =	shalt  }
0x64: {  	_ =	shalt  }
0x65: {  	_ =	shalt  }
0x66: {  	_ =	shalt  }
0x67: {  	_ =	shalt  }
0x68: {  	_ =	shalt  }
0x69: {  	_ =	shalt  }
0x6a: {  	_ =	shalt  }
0x6b: {  	_ =	shalt  }
0x6c: {  	_ =	shalt  }
0x6d: {  	_ =	shalt  }
0x6e: {  	_ =	shalt  }
0x6f: {  	_ =	shalt  }
0x70: {  	_ =	shalt  }
0x71: {  	_ =	shalt  }
0x72: {  	_ =	shalt  }
0x73: {  	_ =	shalt  }
0x74: {  	_ =	shalt  }
0x75: {  	_ =	shalt  }
0x76: {  	_ =	shalt  }
0x77: {  	_ =	shalt  }
0x78: {  	_ =	shalt  }
0x79: {  	_ =	shalt  }
0x7a: {  	_ =	shalt  }
0x7b: {  	_ =	shalt  }
0x7c: {  	_ =	shalt  }
0x7d: {  	_ =	shalt  }
0x7e: {  	_ =	shalt  }
0x7f: {  	_ =	shalt  }
0x80: {  	_ =	shalt  }
0x81: {  	_ =	shalt  }
0x82: {  	_ =	shalt  }
0x83: {  	_ =	shalt  }
0x84: {  	_ =	shalt  }
0x85: {  	_ =	shalt  }
0x86: {  	_ =	shalt  }
0x87: {  	_ =	shalt  }
.Lfunc_end0:
.L_simem_size_0:
called_computation_lowered:
.L_overlay_start_0:
0x88: {  	s2 =	sld [smem:$0x3FD9]  }
0x89: {  	s3 =	sld [smem:$0x3FFE];
	_ =	sdelay $0x1  }
0x8a: {  	s1 =	srdreg.scid  }
0x8b: {  	s0 =	sand.u32 $0x1, s1  }
0x8c: {  	s17 =	sshll.u32 s0, $0xA;
	s2 =	sadd.s32 s3, s2  }
0x8d: {  	s2 =	sadd.s32 s2, s17  }
0x8e: {  	[smem:$0x3FC1] =	sst s2  }
0x8f: {  	_ = 	snop  }
0x90: {  	s2 =	sld [smem:$0x3FC9]  }
0x91: {  	s18 =	sld [smem:$0x3FC8]  }
0x92: {  	s4 =	sld [smem:$0x3FD0];
	(tm) =	ssettm $0x1  }
0x93: {  	s5 =	sld [smem:$0x3FFB];
	_ =	sdelay $0x3  }
0x94: {  	_ =	strace s5  }
0x95: {  	s5 =	sld [smem:$0x3FFC];
	_ =	sdelay $0x3  }
0x96: {  	_ =	strace s5  }
0x97: {  	s5 =	sld [smem:$0x3FFD];
	_ =	sdelay $0x3  }
0x98: {  	_ =	strace s5  }
0x99: {  	_ =	strace $0x8FFFFFFF  }
0x9a: {  	s19 =	sld [smem:$0x3FDB];
	_ =	sdelay $0x1  }
0x9b: {  	s6 =	simm.s32 $_scs_section_size  }
0x9c: {  	s7 =	simm.s32 $_size__tile_overlayer_lowered;
	s8 =	simm.s32 $_tile_overlayer_lowered  }
0x9d: {  	s22 =	simm.s32 $0x1BFF;
	s21 =	sshll.u32 s8, $0x1;
	s5 =	sadd.s32 s6, s19  }
0x9e: {  	s9 =	simm.s32 $0x0;
	s20 =	sshll.u32 s7, $0x1;
	s7 =	sadd.s32 s21, s5  }
0x9f: {  	[timem:s9], [sflag:s22] =	dma.local [hbm:s7], s20  }
0xa0: {  	_ =	swait.ge [sflag:s22], s20  }
0xa1: {  	s6 =	ssub.s32 $0x0, s20;
	[sflag:s22] =	ssyncset.done $0x0  }
0xa2: {  	[sflag:s22] =	ssyncadd.s32 s6;
	_ =	sdelay $0x1  }
0xa3: {  	s23 =	simm.s32 $0x1B8B  }
0xa4: {  	_ =	swait.ge [sflag:s23], $0x1  }
0xa5: {  	[sflag:s23] =	ssyncset.done $0x0  }
0xa6: {  	s25 =	simm.s32 $0x1B8E;
	s24 =	sld [smem:$0x3FFE];
	[sflag:s23] =	ssyncadd.s32 $0xFFFFFFFF  }
0xa7: {  	s26 =	simm.s32 $execute0_lowered;
	[smem:$0x3FD2] =	sst s25  }
0xa8: {  	s7 =	sshll.u32 s26, $0x1;
	_ =	strace $0x80000046;
	[dreg:$0x1] =	wrdreg $0xFFFFFFFF  }
0xa9: {  	s28 =	simm.s32 $_size_execute0_lowered;
	s5 =	sadd.s32 s5, s7;
	[dreg:$0x0] =	wrdreg $0x0  }
0xaa: {  	s7 =	sshll.u32 s28, $0x1;
	[dreg:$0x2] =	wrdreg s5  }
0xab: {  	[dreg:$0x3] =	wrdreg s7  }
0xac: {  	[dreg:$0x4] =	wrdreg $0xC0  }
0xad: {  	_ =	task [dreg:s9], $0x5FFFF  }
0xae: {  	[dreg:$0x1] =	wrdreg $0xFFFFFFFF  }
0xaf: {  	[dreg:$0x0] =	wrdreg $0x60  }
0xb0: {  	[dreg:$0x2] =	wrdreg s2  }
0xb1: {  	[dreg:$0x3] =	wrdreg s18  }
0xb2: {  	[dreg:$0x4] =	wrdreg s24  }
0xb3: {  	[dreg:$0x5] =	wrdreg s4  }
0xb4: {  	[dreg:$0x6] =	wrdreg $0x9  }
0xb5: {  	_ =	task.clear_ibuf [dreg:s9], $0x7FFFF;
	_ =	strace $0x90000046  }
0xb6: {  	s29 =	simm.s32 $0x9;
	_ =	strace $0x80000048  }
0xb7: {  	_ =	swait.ge [sflag:s29], $0x1  }
0xb8: {  	[sflag:s29] =	ssyncadd.s32 $0xFFFFFFFF  }
0xb9: {  	_ =	strace $0x90000048  }
0xba: {  	_ =	sfence  }
0xbb: {  	s30 =	sld [smem:$0x0];
	_ =	sdelay $0x2  }
0xbc: {  	s31 =	sshll.u32 s1, $0xD;
	s1 =	sshrl.u32 s1, $0x2  }
0xbd: {  	s3 =	sand.u32 $0x4000, s31;
	s1 =	sadd.s32 s1, s30  }
0xbe: {  	s0 =	sor.u32 s3, s0;
	s1 =	sshll.u32 s1, $0x11  }
0xbf: {  	s0 =	sor.u32 s1, s0  }
0xc0: {  	s0 =	sadd.s32 $0x8F2B, s0  }
0xc1: {  	[sflag:s0] =	ssyncadd.remote.s32 $0x1  }
0xc2: {  	_ =	sfence.sel $0xFFFF  }
0xc3: {  	[dreg:$0x0] =	wrdreg $0xFFFFFFFF;
	(pc) =	sbr.abs _section_cstart, $3  }
0xc4: {  	[dreg:$0x1] =	wrdreg $0xFFFFFFFF  }
0xc5: {  	_ =	task.clear_ibuf [dreg:s9], $0x2FFFF;
	_ =	strace $0x9FFFFFFF  }
0xc6: {  	(tm) =	ssettm $0x7FFFFFFF  }
0xc7: {  	_ =	shalt  }
tec
execute0_lowered:
.L_overlay_start_1:
0x0: {  	(tag) =	ssettag $0x1  }
0x1: {  	s4 =	rddreg [dreg:$0x0]  }
0x2: {  	s6 =	rddreg [dreg:$0x1];
	s1 =	srdreg.scid  }
0x3: {  	s18 =	rddreg [dreg:$0x2];
	s0 =	stileid.u32;
	s19 =	sand.u32 $0x1, s1  }
0x4: {  	s2 =	rddreg [dreg:$0x3];
	s5 =	sshll.u32 s0, $0x8;
	s7 =	sshll.u32 s19, $0x7  }
0x5: {  	s3 =	simm.s32 $0x0;
	s1 =	rddreg [dreg:$0x4];
	s16 =	sor.u32 s7, s5  }
0x6: {  	[smem:$0x7FF] =	sst s3;
	s20 =	sshrl.u32 s16, $0x3  }
0x7: {  	_ =	strace $0x80000047;
	s5 =	sadd.s32 s4, s20;
	s4 =	simm.s32 $0x2  }
0x8: {  	[tilespmem:s3], [sflag:$0x2] =	stream.linear.gather [hbm4b:s5+s3], $0x80, $0x38;
	[tilespmem:$0x2200] =	vst v63  }
0x9: {  	_ =	swait.ge [sflag:s4], $0x80  }
0xa: {  	[sflag:s4] =	ssyncset.done $0x0  }
0xb: {  	s7 =	simm.s32 $0x80;
	s6 =	sadd.s32 s6, s20;
	[sflag:s4] =	ssyncadd.s32 $0xFFFFFF80  }
0xc: {  	[tilespmem:s7], [sflag:$0x2] =	stream.linear.gather [hbm4b:s6+s3], $0x80, $0x38;
	[tilespmem:$0x2200] =	vst v63  }
0xd: {  	_ =	swait.ge [sflag:s4], $0x80  }
0xe: {  	[sflag:s4] =	ssyncset.done $0x0  }
0xf: {  	s9 =	simm.s32 $0x100;
	s8 =	sadd.s32 $0x1313200, s18;
	[sflag:s4] =	ssyncadd.s32 $0xFFFFFF80  }
0x10: {  	[tilespmem:s9], [sflag:$0x1] =	stream.indirect.gather [hbm4b:s8+s7], $0x20, s3, s7, $0xb8;
	[tilespmem:$0x2200] =	vst v63  }
0x11: {  	s11 =	simm.s32 $0x1100;
	s10 =	sadd.s32 $0xF42800, s18  }
0x12: {  	[tilespmem:s11], [sflag:$0x1] =	stream.indirect.gather [hbm4b:s10+s7], $0x20, s7, s7, $0xb8;
	[tilespmem:$0x2200] =	vst v63  }
0x13: {  	s12 =	simm.s32 $0x2100  }
0x14: {  	[tilespmem:s12], [sflag:$0x1] =	stream.indirect.gather [hbm4b:s2+s7], $0x1, s3, s7, $0xb8;
	[tilespmem:$0x2200] =	vst v63  }
0x15: {  	s14 =	simm.s32 $0x2180;
	s15 =	simm.s32 $0x1;
	s13 =	sadd.s32 $0x400, s18  }
0x16: {  	[tilespmem:s14], [sflag:$0x1] =	stream.indirect.gather [hbm4b:s13+s7], $0x1, s7, s7, $0xb8;
	[tilespmem:$0x2200] =	vst v63  }
0x17: {  	_ =	swait.ge [sflag:s15], $0x1000  }
0x18: {  	[sflag:s15] =	ssyncset.done $0x0  }
0x19: {  	[sflag:s15] =	ssyncadd.s32 $0xFFFFF000  }
0x1a: {  	_ =	swait.ge [sflag:s15], $0x1000  }
0x1b: {  	[sflag:s15] =	ssyncset.done $0x0  }
0x1c: {  	[sflag:s15] =	ssyncadd.s32 $0xFFFFF000  }
0x1d: {  	_ =	swait.ge [sflag:s15], $0x80  }
0x1e: {  	[sflag:s15] =	ssyncset.done $0x0  }
0x1f: {  	[sflag:s15] =	ssyncadd.s32 $0xFFFFFF80  }
0x20: {  	s16 =	sshll.u32 s16, $0x2;
	_ =	swait.ge [sflag:s15], $0x80  }
0x21: {  	s17 =	sadd.s32 s16, s18;
	[sflag:s15] =	ssyncset.done $0x0  }
0x22: {  	s16 =	sadd.s32 $0x23000, s17;
	[sflag:s15] =	ssyncadd.s32 $0xFFFFFF80  }
0x23: {  	[hbm4b:s16+s3] =	stream.linear.scatter [tilespmem:s9], [sflag:$0x2], $0x1000, $0x38;
	[tilespmem:$0x2200] =	vst v63  }
0x24: {  	_ =	swait.ge [sflag:s4], $0x1000  }
0x25: {  	[sflag:s4] =	ssyncset.done $0x0  }
0x26: {  	s19 =	ssub.s32 $0x2, s19;
	s17 =	sadd.s32 $0x1F000, s17;
	[sflag:s4] =	ssyncadd.s32 $0xFFFFF000  }
0x27: {  	[hbm4b:s17+s3] =	stream.linear.scatter [tilespmem:s11], [sflag:$0x2], $0x1000, $0x38;
	[tilespmem:$0x2200] =	vst v63  }
0x28: {  	s21 =	sshrl.u32 s19, $0x1;
	_ =	swait.ge [sflag:s4], $0x1000  }
0x29: {  	s21 =	ssub.s32 s19, s21;
	s20 =	sadd.s32 s20, s18;
	[sflag:s4] =	ssyncset.done $0x0  }
0x2a: {  	s31 =	smax.u32 s21, $0x1;
	s18 =	sadd.s32 $0x1EE00, s20;
	[sflag:s4] =	ssyncadd.s32 $0xFFFFF000  }
0x2b: {  	[hbm4b:s18+s3] =	stream.linear.scatter [tilespmem:s12], [sflag:$0x2], $0x80, $0x38;
	[tilespmem:$0x2200] =	vst v63  }
0x2c: {  	p0 =	sne.s32 s31, $0x1;
	_ =	swait.ge [sflag:s4], $0x80  }
.Ltmp0:
0x2d: {  	[sflag:s4] =	ssyncset.done $0x0;
	(pc) =	sbr.rel @!p0 .LBB2_2-.Ltmp0, $4  }
0x2e: {  	s19 =	sadd.s32 $0x27000, s20;
	[sflag:s4] =	ssyncadd.s32 $0xFFFFFF80  }
0x2f: {  	[hbm4b:s19+s3] =	stream.linear.scatter [tilespmem:s14], [sflag:$0x2], $0x80, $0x38;
	[tilespmem:$0x2200] =	vst v63  }
0x30: {  	_ =	swait.ge [sflag:s4], $0x80  }
0x31: {  	s20 =	sadd.s32 $0xFFFFFFFF, s31;
	[sflag:s4] =	ssyncset.done $0x0  }
.LBB2_1:
0x32: {  	p0 =	sne.s32 s20, $0x1;
	s20 =	sadd.s32 $0xFFFFFFFF, s20;
	[sflag:s4] =	ssyncadd.s32 $0xFFFFFF80  }
0x33: {  	[tilespmem:s3], [sflag:$0x2] =	stream.linear.gather [hbm4b:s5+s3], $0x80, $0x38;
	[tilespmem:$0x2200] =	vst v63  }
0x34: {  	_ =	swait.ge [sflag:s4], $0x80  }
0x35: {  	[sflag:s4] =	ssyncset.done $0x0  }
0x36: {  	[sflag:s4] =	ssyncadd.s32 $0xFFFFFF80  }
0x37: {  	[tilespmem:s7], [sflag:$0x2] =	stream.linear.gather [hbm4b:s6+s3], $0x80, $0x38;
	[tilespmem:$0x2200] =	vst v63  }
0x38: {  	_ =	swait.ge [sflag:s4], $0x80  }
0x39: {  	[sflag:s4] =	ssyncset.done $0x0  }
0x3a: {  	[sflag:s4] =	ssyncadd.s32 $0xFFFFFF80  }
0x3b: {  	[tilespmem:s9], [sflag:$0x1] =	stream.indirect.gather [hbm4b:s8+s7], $0x20, s3, s7, $0xb8;
	[tilespmem:$0x2200] =	vst v63  }
0x3c: {  	_ = 	snop  }
0x3d: {  	[tilespmem:s11], [sflag:$0x1] =	stream.indirect.gather [hbm4b:s10+s7], $0x20, s7, s7, $0xb8;
	[tilespmem:$0x2200] =	vst v63  }
0x3e: {  	_ = 	snop  }
0x3f: {  	[tilespmem:s12], [sflag:$0x1] =	stream.indirect.gather [hbm4b:s2+s7], $0x1, s3, s7, $0xb8;
	[tilespmem:$0x2200] =	vst v63  }
0x40: {  	_ = 	snop  }
0x41: {  	[tilespmem:s14], [sflag:$0x1] =	stream.indirect.gather [hbm4b:s13+s7], $0x1, s7, s7, $0xb8;
	[tilespmem:$0x2200] =	vst v63  }
0x42: {  	_ =	swait.ge [sflag:s15], $0x1000  }
0x43: {  	[sflag:s15] =	ssyncset.done $0x0  }
0x44: {  	[sflag:s15] =	ssyncadd.s32 $0xFFFFF000  }
0x45: {  	_ =	swait.ge [sflag:s15], $0x1000  }
0x46: {  	[sflag:s15] =	ssyncset.done $0x0  }
0x47: {  	[sflag:s15] =	ssyncadd.s32 $0xFFFFF000  }
0x48: {  	_ =	swait.ge [sflag:s15], $0x80  }
0x49: {  	[sflag:s15] =	ssyncset.done $0x0  }
0x4a: {  	[sflag:s15] =	ssyncadd.s32 $0xFFFFFF80  }
0x4b: {  	_ =	swait.ge [sflag:s15], $0x80  }
0x4c: {  	[sflag:s15] =	ssyncset.done $0x0  }
0x4d: {  	[sflag:s15] =	ssyncadd.s32 $0xFFFFFF80  }
0x4e: {  	[hbm4b:s16+s3] =	stream.linear.scatter [tilespmem:s9], [sflag:$0x2], $0x1000, $0x38;
	[tilespmem:$0x2200] =	vst v63  }
0x4f: {  	_ =	swait.ge [sflag:s4], $0x1000  }
0x50: {  	[sflag:s4] =	ssyncset.done $0x0  }
0x51: {  	[sflag:s4] =	ssyncadd.s32 $0xFFFFF000  }
0x52: {  	[hbm4b:s17+s3] =	stream.linear.scatter [tilespmem:s11], [sflag:$0x2], $0x1000, $0x38;
	[tilespmem:$0x2200] =	vst v63  }
0x53: {  	_ =	swait.ge [sflag:s4], $0x1000  }
0x54: {  	[sflag:s4] =	ssyncset.done $0x0  }
0x55: {  	[sflag:s4] =	ssyncadd.s32 $0xFFFFF000  }
0x56: {  	[hbm4b:s18+s3] =	stream.linear.scatter [tilespmem:s12], [sflag:$0x2], $0x80, $0x38;
	[tilespmem:$0x2200] =	vst v63  }
0x57: {  	_ =	swait.ge [sflag:s4], $0x80  }
.Ltmp1:
0x58: {  	[sflag:s4] =	ssyncset.done $0x0;
	(pc) =	sbr.rel @p0 .LBB2_1-.Ltmp1, $4  }
0x59: {  	[sflag:s4] =	ssyncadd.s32 $0xFFFFFF80  }
0x5a: {  	[hbm4b:s19+s3] =	stream.linear.scatter [tilespmem:s14], [sflag:$0x2], $0x80, $0x38;
	[tilespmem:$0x2200] =	vst v63  }
0x5b: {  	_ =	swait.ge [sflag:s4], $0x80  }
0x5c: {  	[sflag:s4] =	ssyncset.done $0x0  }
.LBB2_2:
0x5d: {  	[sflag:s4] =	ssyncadd.s32 $0xFFFFFF80  }
0x5e: {  	_ =	sfence.sel $0x180000  }
0x5f: {  	[bflag:$0x0] =	sbarrier.arrive $0xFFFF  }
0x60: {  	p0 =	sne.s32 s0, $0x0;
	_ =	strace $0x90000047  }
0x61: {  	s0 =	sadd.s32 @!p0 $0x100000, s1;
	[bflag:$0x2] =	sbarrier.arrive $0xFFFF  }
0x62: {  	[sflag:s0] =	ssyncadd.tile.s32 @!p0 $0x1;
	_ =	shalt  }
.Lfunc_end2:
_tile_overlayer_lowered:
.L_overlay_start_2:
0x63: {  	(tag) =	ssettag $0x2  }
0x64: {  	s0 =	rddreg [dreg:$0x0];
	s2 =	stileid.u32  }
0x65: {  	s1 =	rddreg [dreg:$0x1];
	p0 =	sne.s32 s2, $0x0  }
0x66: {  	s3 =	rddreg [dreg:$0x2];
	[bflag:$0x3] =	sbarrier.arrive $0xFFFF;
	s2 =	simm.s32 @!p0 $0x1C02  }
0x67: {  	[timem:s3], [sflag:s2] =	dma.local @!p0 [hbm:s0], s1  }
0x68: {  	s0 =	simm.s32 @!p0 $0x2  }
0x69: {  	_ =	swait.ge @!p0 [sflag:s0], s1  }
0x6a: {  	s1 =	ssub.s32 @!p0 $0x0, s1;
	[sflag:s0] =	ssyncset.done @!p0 $0x0  }
0x6b: {  	[sflag:s0] =	ssyncadd.s32 @!p0 s1  }
0x6c: {  	[bflag:$0x3] =	sbarrier.arrive $0xFFFF  }
0x6d: {  	_ =	shalt  }

</sc_bundles>
